<compile_context>
chip_gen: v7x
topology: tpu7x:2x2x1
jax: 0.10.2.dev20260603
libtpu: 0.0.44.dev20260713+nightly
codegen_flags: <defaults>
</compile_context>

<pallas_src>
import jax
import jax.numpy as jnp
from jax import lax
from jax.experimental import pallas as pl
from jax.experimental.pallas import tpu as pltpu
from jax.experimental.pallas import tpu_sc as plsc

_N = 320000
_D_IN = 128
_D_HID = 64
_N_SEG = 4096
_BLK = 8000
_NW = 32
_CHUNKS = (160000, 160000)
_LOG2 = 0.6931471805599453


def _mlp_body(x_ref, w1_ref, b1_ref, w2t_ref, b2_ref, o_ref):
    h = jnp.dot(x_ref[...], w1_ref[...], preferred_element_type=jnp.float32)
    h = jnp.log1p(jnp.exp(h + b1_ref[...])) - _LOG2
    yi_t = lax.dot_general(w2t_ref[...], h, (((1,), (1,)), ((), ())),
                           preferred_element_type=jnp.float32)
    o_ref[...] = (yi_t + b2_ref[...])[None]


def _scatter_body(off, pt, idx_hbm, val_hbm, out_hbm, idx_v, val_v, zero_v,
                  acc_sp, sem_i, sem_v):
    cid = lax.axis_index("c")
    sid = lax.axis_index("s")

    base = (sid * 2 + cid) * pt
    ld_i = pltpu.async_copy(idx_hbm.at[pl.ds(off + base, pt)], idx_v, sem_i)
    ld_v = pltpu.async_copy(val_hbm.at[pl.ds(base, pt)], val_v, sem_v)

    @pl.when(sid == 0)
    def _init():
        def _z(i, c):
            zero_v[pl.ds(i * 16, 16)] = jnp.zeros((16,), jnp.float32)
            return c
        lax.fori_loop(0, _N_SEG // 16, _z, 0)
        pltpu.sync_copy(zero_v, acc_sp)

    ld_i.wait()
    ld_v.wait()
    plsc.subcore_barrier()

    pltpu.sync_copy(val_v, acc_sp.at[idx_v], add=True)
    plsc.subcore_barrier()

    @pl.when(sid == 0)
    def _emit():
        pltpu.sync_copy(acc_sp, out_hbm.at[cid])


import functools


def kernel(scalar_representation, idx_m, W1, b1, W2, b2):
    x = scalar_representation
    b2_eff = b2.reshape(1, 1)
    idx = idx_m.astype(jnp.int32)

    def _mlp_chunk(off_blk, chunk_blk):
        return pl.pallas_call(
            _mlp_body,
            grid=(chunk_blk,),
            in_specs=[
                pl.BlockSpec((_BLK, _D_IN), lambda i: (i + off_blk, 0)),
                pl.BlockSpec((_D_IN, _D_HID), lambda i: (0, 0)),
                pl.BlockSpec((1, _D_HID), lambda i: (0, 0)),
                pl.BlockSpec((1, _D_HID), lambda i: (0, 0)),
                pl.BlockSpec((1, 1), lambda i: (0, 0)),
            ],
            out_specs=pl.BlockSpec((1, 1, _BLK), lambda i: (i, 0, 0)),
            out_shape=jax.ShapeDtypeStruct((chunk_blk, 1, _BLK), jnp.float32),
        )(x, W1, b1.reshape(1, _D_HID), W2.reshape(1, _D_HID), b2_eff)

    def _scatter_chunk(off_elems, pt, val_chunk):
        sc = pl.kernel(
            functools.partial(_scatter_body, off_elems, pt),
            out_type=jax.ShapeDtypeStruct((2, _N_SEG), jnp.float32),
            mesh=plsc.VectorSubcoreMesh(core_axis_name="c",
                                        subcore_axis_name="s"),
            scratch_types=[
                pltpu.VMEM((pt,), jnp.int32),
                pltpu.VMEM((pt,), jnp.float32),
                pltpu.VMEM((_N_SEG,), jnp.float32),
                pltpu.VMEM_SHARED((_N_SEG,), jnp.float32),
                pltpu.SemaphoreType.DMA,
                pltpu.SemaphoreType.DMA,
            ],
        )
        return sc(idx, val_chunk)

    acc = None
    off = 0
    for size in _CHUNKS:
        yi_q = _mlp_chunk(off // _BLK, size // _BLK)
        p_q = _scatter_chunk(off, size // _NW, yi_q.reshape(size))
        acc = p_q if acc is None else acc + p_q
        off += size
    return acc[0] + acc[1]

# --- scband reference (transcript-rebuilt; emitter-appended) ---
"""Pipeline reference for scband-atomwise-48687749267993 (READ-ONLY COPY).

The authoritative reference and input builder live on the scoring server;
editing this copy changes nothing except your own understanding.
"""

import jax, jax.numpy as jnp
import numpy as np

N = 320000
D_IN = 128
D_HID = 64  # schnetpack pyramidal MLP, n_layers=2: [128 -> 64 -> 1]
N_OUT = 1
N_SEG = 4096


def shifted_softplus(x):
    return jax.nn.softplus(x) - jnp.log(2.0)


def setup_inputs(seed: int = 0) -> dict:
    key = jax.random.key(seed)
    k1, k2, k3, k4, k5, k6 = jax.random.split(key, 6)
    scalar_representation = jax.random.normal(k1, (N, D_IN), dtype=jnp.float32)
    idx_m = jnp.sort(jax.random.randint(k2, (N,), 0, N_SEG)).astype(jnp.int64)
    # guarantee the number of segments is exactly N_SEG (idx_m[-1] + 1 == N_SEG)
    idx_m = idx_m.at[-1].set(N_SEG - 1)
    # pyramidal MLP params: Dense(128->64, shifted_softplus), Dense(64->1)
    W1 = jax.random.normal(k3, (D_IN, D_HID), dtype=jnp.float32) / np.sqrt(D_IN)
    b1 = jnp.zeros((D_HID,), dtype=jnp.float32)
    W2 = jax.random.normal(k4, (D_HID, N_OUT), dtype=jnp.float32) / np.sqrt(D_HID)
    b2 = jnp.zeros((N_OUT,), dtype=jnp.float32)
    return {
        "scalar_representation": scalar_representation,
        "idx_m": idx_m,
        "W1": W1,
        "b1": b1,
        "W2": W2,
        "b2": b2,
    }


def reference(scalar_representation, idx_m, W1, b1, W2, b2):
    # outnet: 2-layer pyramidal MLP with shifted_softplus activation
    h = shifted_softplus(scalar_representation @ W1 + b1)
    yi = h @ W2 + b2  # atomwise contributions, [N, n_out]
    n_seg = N_SEG
    # torch.zeros(...).index_add(0, idx_m, yi)  ->  scatter-add / segment sum
    tmp = jnp.zeros((n_seg, yi.shape[-1]), dtype=yi.dtype)
    y = tmp.at[idx_m].add(yi)
    y = jnp.squeeze(y, -1)
    return y


if False:  # reference __main__ guard neutralized (emitter)
    inp = setup_inputs()
    out = reference(**inp)
    print(out.shape, out.dtype)

if __name__ == "__main__":
    import jax
    _d = setup_inputs()
    print(jax.jit(kernel)(*tuple(_d.values())))

</pallas_src>

<mosaic_0001>
#map = affine_map<(d0, d1) -> (0)>
#map1 = affine_map<(d0, d1) -> (0, 0)>
module attributes {stable_mosaic.version = 14 : i64} {
  func.func @_scatter_body(%arg0: i32, %arg1: i32, %arg2: memref<320000xi32, #tpu.memory_space<hbm>>, %arg3: memref<160000xf32, #tpu.memory_space<hbm>>, %arg4: memref<2x4096xf32, #tpu.memory_space<hbm>>, %arg5: memref<5000xi32, #tpu.memory_space<vmem>>, %arg6: memref<5000xf32, #tpu.memory_space<vmem>>, %arg7: memref<4096xf32, #tpu.memory_space<vmem>>, %arg8: memref<4096xf32, #tpu.memory_space<vmem_shared>>, %arg9: memref<!tpu.dma_semaphore, #tpu.memory_space<semaphore_mem>>, %arg10: memref<!tpu.dma_semaphore, #tpu.memory_space<semaphore_mem>>) attributes {dimension_semantics = [#tpu.dimension_semantics<core_parallel>, #tpu.dimension_semantics<subcore_parallel>], iteration_bounds = array<i64: 2, 16>, scalar_prefetch = 0 : i64, scratch_operands = 6 : i64, tpu.core_type = #tpu.core_type<sc_vector_subcore>, window_params = [{transform_indices = #map}, {transform_indices = #map}, {transform_indices = #map1}]} {
    %mul3A = arith.constant 2 : i32
    %mul3A_0 = arith.muli %arg1, %mul3A : i32
    %add3A = arith.addi %mul3A_0, %arg0 : i32
    %mul3A_1 = arith.constant 5000 : i32
    %mul3A_2 = arith.muli %add3A, %mul3A_1 : i32
    %add3A_3 = arith.constant 160000 : i32
    %add3A_4 = arith.addi %add3A_3, %mul3A_2 : i32
    %dma_start3A = tpu.memref_slice %arg2[%add3A_4] : memref<320000xi32, #tpu.memory_space<hbm>> -> memref<5000xi32, #tpu.memory_space<hbm>>
    %dma_start3A_5 = tpu.memref_slice %arg2[%add3A_4] : memref<320000xi32, #tpu.memory_space<hbm>> -> memref<5000xi32, #tpu.memory_space<hbm>>
    tpu.enqueue_dma source(%dma_start3A_5 : memref<5000xi32, #tpu.memory_space<hbm>>) target(%arg5 : memref<5000xi32, #tpu.memory_space<vmem>>) target_semaphore(%arg9 : memref<!tpu.dma_semaphore, #tpu.memory_space<semaphore_mem>>)
    %dma_start3A_6 = tpu.memref_slice %arg3[%mul3A_2] : memref<160000xf32, #tpu.memory_space<hbm>> -> memref<5000xf32, #tpu.memory_space<hbm>>
    %dma_start3A_7 = tpu.memref_slice %arg3[%mul3A_2] : memref<160000xf32, #tpu.memory_space<hbm>> -> memref<5000xf32, #tpu.memory_space<hbm>>
    tpu.enqueue_dma source(%dma_start3A_7 : memref<5000xf32, #tpu.memory_space<hbm>>) target(%arg6 : memref<5000xf32, #tpu.memory_space<vmem>>) target_semaphore(%arg10 : memref<!tpu.dma_semaphore, #tpu.memory_space<semaphore_mem>>)
    %eq3A = arith.constant 0 : i32
    %eq3A_8 = arith.cmpi eq, %arg1, %eq3A : i32
    %convert_element_type3A = arith.extui %eq3A_8 : i1 to i32
    %cond3A = arith.constant 0 : i32
    %cond3A_9 = arith.cmpi ne, %convert_element_type3A, %cond3A : i32
    scf.if %cond3A_9 {
      %scan3A = arith.constant 0 : i32
      %scan3A_19 = arith.constant 0 : i32
      %scan3A_20 = arith.constant 256 : i32
      %scan3A_21 = arith.addi %scan3A_19, %scan3A_20 : i32
      %scan3A_22 = arith.constant 1 : i32
      scf.for %scan3A_24 = %scan3A_19 to %scan3A_21 step %scan3A_22  : i32 {
        %broadcast_in_dim3A = arith.constant 0.000000e+00 : f32
        %broadcast_in_dim3A_25 = vector.broadcast %broadcast_in_dim3A : f32 to vector<16xf32>
        %mul3A_26 = arith.constant 16 : i32
        %mul3A_27 = arith.muli %scan3A_24, %mul3A_26 : i32
        %swap3A = arith.index_cast %mul3A_27 : i32 to index
        %swap3A_28 = tpu.vector_load %arg7[%swap3A] {strides = array<i32>} : memref<4096xf32, #tpu.memory_space<vmem>>, vector<16xf32>,
        %swap3A_29 = vector.shape_cast %swap3A_28 : vector<16xf32> to vector<16xf32>
        %swap3A_30 = vector.shape_cast %broadcast_in_dim3A_25 : vector<16xf32> to vector<16xf32>
        tpu.vector_store %arg7[%swap3A], %swap3A_30 {strides = array<i32>} : memref<4096xf32, #tpu.memory_space<vmem>>, vector<16xf32>,
      }
      %scan3A_23 = arith.constant 256 : i32
      "tpu.region"() ({
        %run_scoped3A = tpu.sem_alloc : memref<!tpu.dma_semaphore, #tpu.memory_space<semaphore_mem>>
        tpu.enqueue_dma source(%arg7 : memref<4096xf32, #tpu.memory_space<vmem>>) target(%arg8 : memref<4096xf32, #tpu.memory_space<vmem_shared>>) target_semaphore(%run_scoped3A : memref<!tpu.dma_semaphore, #tpu.memory_space<semaphore_mem>>)
        tpu.wait_dma2 semaphore(%run_scoped3A : memref<!tpu.dma_semaphore, #tpu.memory_space<semaphore_mem>>) src(%arg7 : memref<4096xf32, #tpu.memory_space<vmem>>) dst(%arg8 : memref<4096xf32, #tpu.memory_space<vmem_shared>>)
        tpu.yield
      }) : () -> ()
    } else {
    }
    %dma_wait3A = tpu.memref_slice %arg2[%add3A_4] : memref<320000xi32, #tpu.memory_space<hbm>> -> memref<5000xi32, #tpu.memory_space<hbm>>
    %dma_wait3A_10 = tpu.memref_slice %arg2[%add3A_4] : memref<320000xi32, #tpu.memory_space<hbm>> -> memref<5000xi32, #tpu.memory_space<hbm>>
    tpu.wait_dma2 semaphore(%arg9 : memref<!tpu.dma_semaphore, #tpu.memory_space<semaphore_mem>>) src(%dma_wait3A_10 : memref<5000xi32, #tpu.memory_space<hbm>>) dst(%arg5 : memref<5000xi32, #tpu.memory_space<vmem>>)
    %dma_wait3A_11 = tpu.memref_slice %arg3[%mul3A_2] : memref<160000xf32, #tpu.memory_space<hbm>> -> memref<5000xf32, #tpu.memory_space<hbm>>
    %dma_wait3A_12 = tpu.memref_slice %arg3[%mul3A_2] : memref<160000xf32, #tpu.memory_space<hbm>> -> memref<5000xf32, #tpu.memory_space<hbm>>
    tpu.wait_dma2 semaphore(%arg10 : memref<!tpu.dma_semaphore, #tpu.memory_space<semaphore_mem>>) src(%dma_wait3A_12 : memref<5000xf32, #tpu.memory_space<hbm>>) dst(%arg6 : memref<5000xf32, #tpu.memory_space<vmem>>)
    %barrier3A = arith.constant 0 : index
    tpu.barrier barrier_id(%barrier3A)
    "tpu.region"() ({
      %run_scoped3A = tpu.sem_alloc : memref<!tpu.dma_semaphore, #tpu.memory_space<semaphore_mem>>
      %dma_start3A_19 = arith.constant 0 : i32
      %dma_start3A_20 = tpu.memref_slice %arg8[%dma_start3A_19] : memref<4096xf32, #tpu.memory_space<vmem_shared>> -> memref<4096xf32, #tpu.memory_space<vmem_shared>>
      tpu.enqueue_indirect_dma source(%arg6 : memref<5000xf32, #tpu.memory_space<vmem>>) target(%dma_start3A_20 : memref<4096xf32, #tpu.memory_space<vmem_shared>>) offsets(%arg5 : memref<5000xi32, #tpu.memory_space<vmem>>) semaphore(%run_scoped3A : memref<!tpu.dma_semaphore, #tpu.memory_space<semaphore_mem>>) {add = true}
      %dma_wait3A_21 = arith.constant 0 : i32
      %dma_wait3A_22 = tpu.memref_slice %arg8[%dma_wait3A_21] : memref<4096xf32, #tpu.memory_space<vmem_shared>> -> memref<4096xf32, #tpu.memory_space<vmem_shared>>
      tpu.wait_indirect_dma semaphore(%run_scoped3A : memref<!tpu.dma_semaphore, #tpu.memory_space<semaphore_mem>>) src(%arg6 : memref<5000xf32, #tpu.memory_space<vmem>>) dst(%dma_wait3A_22 : memref<4096xf32, #tpu.memory_space<vmem_shared>>)
      tpu.yield
    }) : () -> ()
    %barrier3A_13 = arith.constant 0 : index
    tpu.barrier barrier_id(%barrier3A_13)
    %eq3A_14 = arith.constant 0 : i32
    %eq3A_15 = arith.cmpi eq, %arg1, %eq3A_14 : i32
    %convert_element_type3A_16 = arith.extui %eq3A_15 : i1 to i32
    %cond3A_17 = arith.constant 0 : i32
    %cond3A_18 = arith.cmpi ne, %convert_element_type3A_16, %cond3A_17 : i32
    scf.if %cond3A_18 {
      "tpu.region"() ({
        %run_scoped3A = tpu.sem_alloc : memref<!tpu.dma_semaphore, #tpu.memory_space<semaphore_mem>>
        %dma_start3A_19 = arith.constant 0 : i32
        %dma_start3A_20 = tpu.memref_slice %arg4[%arg0, %dma_start3A_19] : memref<2x4096xf32, #tpu.memory_space<hbm>> -> memref<1x4096xf32, #tpu.memory_space<hbm>>
        %dma_start3A_21 = tpu.memref_squeeze %dma_start3A_20 : memref<1x4096xf32, #tpu.memory_space<hbm>> -> memref<4096xf32, #tpu.memory_space<hbm>>
        tpu.enqueue_dma source(%arg8 : memref<4096xf32, #tpu.memory_space<vmem_shared>>) target(%dma_start3A_21 : memref<4096xf32, #tpu.memory_space<hbm>>) target_semaphore(%run_scoped3A : memref<!tpu.dma_semaphore, #tpu.memory_space<semaphore_mem>>)
        %dma_wait3A_22 = arith.constant 0 : i32
        %dma_wait3A_23 = tpu.memref_slice %arg4[%arg0, %dma_wait3A_22] : memref<2x4096xf32, #tpu.memory_space<hbm>> -> memref<1x4096xf32, #tpu.memory_space<hbm>>
        %dma_wait3A_24 = tpu.memref_squeeze %dma_wait3A_23 : memref<1x4096xf32, #tpu.memory_space<hbm>> -> memref<4096xf32, #tpu.memory_space<hbm>>
        tpu.wait_dma2 semaphore(%run_scoped3A : memref<!tpu.dma_semaphore, #tpu.memory_space<semaphore_mem>>) src(%arg8 : memref<4096xf32, #tpu.memory_space<vmem_shared>>) dst(%dma_wait3A_24 : memref<4096xf32, #tpu.memory_space<hbm>>)
        tpu.yield
      }) : () -> ()
    } else {
    }
    return
  }
}

#map = affine_map<(d0, d1) -> (0)>
#map1 = affine_map<(d0, d1) -> (0, 0)>
module attributes {stable_mosaic.version = 14 : i64} {
  func.func @_scatter_body(%arg0: i32, %arg1: i32, %arg2: memref<320000xi32, #tpu.memory_space<hbm>>, %arg3: memref<160000xf32, #tpu.memory_space<hbm>>, %arg4: memref<2x4096xf32, #tpu.memory_space<hbm>>, %arg5: memref<5000xi32, #tpu.memory_space<vmem>>, %arg6: memref<5000xf32, #tpu.memory_space<vmem>>, %arg7: memref<4096xf32, #tpu.memory_space<vmem>>, %arg8: memref<4096xf32, #tpu.memory_space<vmem_shared>>, %arg9: memref<!tpu.dma_semaphore, #tpu.memory_space<semaphore_mem>>, %arg10: memref<!tpu.dma_semaphore, #tpu.memory_space<semaphore_mem>>) attributes {dimension_semantics = [#tpu.dimension_semantics<core_parallel>, #tpu.dimension_semantics<subcore_parallel>], iteration_bounds = array<i64: 2, 16>, scalar_prefetch = 0 : i64, scratch_operands = 6 : i64, tpu.core_type = #tpu.core_type<sc_vector_subcore>, window_params = [{transform_indices = #map}, {transform_indices = #map}, {transform_indices = #map1}]} {
    %mul3A = arith.constant 2 : i32
    %mul3A_0 = arith.muli %arg1, %mul3A : i32
    %add3A = arith.addi %mul3A_0, %arg0 : i32
    %mul3A_1 = arith.constant 5000 : i32
    %mul3A_2 = arith.muli %add3A, %mul3A_1 : i32
    %add3A_3 = arith.constant 0 : i32
    %add3A_4 = arith.addi %add3A_3, %mul3A_2 : i32
    %dma_start3A = tpu.memref_slice %arg2[%add3A_4] : memref<320000xi32, #tpu.memory_space<hbm>> -> memref<5000xi32, #tpu.memory_space<hbm>>
    %dma_start3A_5 = tpu.memref_slice %arg2[%add3A_4] : memref<320000xi32, #tpu.memory_space<hbm>> -> memref<5000xi32, #tpu.memory_space<hbm>>
    tpu.enqueue_dma source(%dma_start3A_5 : memref<5000xi32, #tpu.memory_space<hbm>>) target(%arg5 : memref<5000xi32, #tpu.memory_space<vmem>>) target_semaphore(%arg9 : memref<!tpu.dma_semaphore, #tpu.memory_space<semaphore_mem>>)
    %dma_start3A_6 = tpu.memref_slice %arg3[%mul3A_2] : memref<160000xf32, #tpu.memory_space<hbm>> -> memref<5000xf32, #tpu.memory_space<hbm>>
    %dma_start3A_7 = tpu.memref_slice %arg3[%mul3A_2] : memref<160000xf32, #tpu.memory_space<hbm>> -> memref<5000xf32, #tpu.memory_space<hbm>>
    tpu.enqueue_dma source(%dma_start3A_7 : memref<5000xf32, #tpu.memory_space<hbm>>) target(%arg6 : memref<5000xf32, #tpu.memory_space<vmem>>) target_semaphore(%arg10 : memref<!tpu.dma_semaphore, #tpu.memory_space<semaphore_mem>>)
    %eq3A = arith.constant 0 : i32
    %eq3A_8 = arith.cmpi eq, %arg1, %eq3A : i32
    %convert_element_type3A = arith.extui %eq3A_8 : i1 to i32
    %cond3A = arith.constant 0 : i32
    %cond3A_9 = arith.cmpi ne, %convert_element_type3A, %cond3A : i32
    scf.if %cond3A_9 {
      %scan3A = arith.constant 0 : i32
      %scan3A_19 = arith.constant 0 : i32
      %scan3A_20 = arith.constant 256 : i32
      %scan3A_21 = arith.addi %scan3A_19, %scan3A_20 : i32
      %scan3A_22 = arith.constant 1 : i32
      scf.for %scan3A_24 = %scan3A_19 to %scan3A_21 step %scan3A_22  : i32 {
        %broadcast_in_dim3A = arith.constant 0.000000e+00 : f32
        %broadcast_in_dim3A_25 = vector.broadcast %broadcast_in_dim3A : f32 to vector<16xf32>
        %mul3A_26 = arith.constant 16 : i32
        %mul3A_27 = arith.muli %scan3A_24, %mul3A_26 : i32
        %swap3A = arith.index_cast %mul3A_27 : i32 to index
        %swap3A_28 = tpu.vector_load %arg7[%swap3A] {strides = array<i32>} : memref<4096xf32, #tpu.memory_space<vmem>>, vector<16xf32>,
        %swap3A_29 = vector.shape_cast %swap3A_28 : vector<16xf32> to vector<16xf32>
        %swap3A_30 = vector.shape_cast %broadcast_in_dim3A_25 : vector<16xf32> to vector<16xf32>
        tpu.vector_store %arg7[%swap3A], %swap3A_30 {strides = array<i32>} : memref<4096xf32, #tpu.memory_space<vmem>>, vector<16xf32>,
      }
      %scan3A_23 = arith.constant 256 : i32
      "tpu.region"() ({
        %run_scoped3A = tpu.sem_alloc : memref<!tpu.dma_semaphore, #tpu.memory_space<semaphore_mem>>
        tpu.enqueue_dma source(%arg7 : memref<4096xf32, #tpu.memory_space<vmem>>) target(%arg8 : memref<4096xf32, #tpu.memory_space<vmem_shared>>) target_semaphore(%run_scoped3A : memref<!tpu.dma_semaphore, #tpu.memory_space<semaphore_mem>>)
        tpu.wait_dma2 semaphore(%run_scoped3A : memref<!tpu.dma_semaphore, #tpu.memory_space<semaphore_mem>>) src(%arg7 : memref<4096xf32, #tpu.memory_space<vmem>>) dst(%arg8 : memref<4096xf32, #tpu.memory_space<vmem_shared>>)
        tpu.yield
      }) : () -> ()
    } else {
    }
    %dma_wait3A = tpu.memref_slice %arg2[%add3A_4] : memref<320000xi32, #tpu.memory_space<hbm>> -> memref<5000xi32, #tpu.memory_space<hbm>>
    %dma_wait3A_10 = tpu.memref_slice %arg2[%add3A_4] : memref<320000xi32, #tpu.memory_space<hbm>> -> memref<5000xi32, #tpu.memory_space<hbm>>
    tpu.wait_dma2 semaphore(%arg9 : memref<!tpu.dma_semaphore, #tpu.memory_space<semaphore_mem>>) src(%dma_wait3A_10 : memref<5000xi32, #tpu.memory_space<hbm>>) dst(%arg5 : memref<5000xi32, #tpu.memory_space<vmem>>)
    %dma_wait3A_11 = tpu.memref_slice %arg3[%mul3A_2] : memref<160000xf32, #tpu.memory_space<hbm>> -> memref<5000xf32, #tpu.memory_space<hbm>>
    %dma_wait3A_12 = tpu.memref_slice %arg3[%mul3A_2] : memref<160000xf32, #tpu.memory_space<hbm>> -> memref<5000xf32, #tpu.memory_space<hbm>>
    tpu.wait_dma2 semaphore(%arg10 : memref<!tpu.dma_semaphore, #tpu.memory_space<semaphore_mem>>) src(%dma_wait3A_12 : memref<5000xf32, #tpu.memory_space<hbm>>) dst(%arg6 : memref<5000xf32, #tpu.memory_space<vmem>>)
    %barrier3A = arith.constant 0 : index
    tpu.barrier barrier_id(%barrier3A)
    "tpu.region"() ({
      %run_scoped3A = tpu.sem_alloc : memref<!tpu.dma_semaphore, #tpu.memory_space<semaphore_mem>>
      %dma_start3A_19 = arith.constant 0 : i32
      %dma_start3A_20 = tpu.memref_slice %arg8[%dma_start3A_19] : memref<4096xf32, #tpu.memory_space<vmem_shared>> -> memref<4096xf32, #tpu.memory_space<vmem_shared>>
      tpu.enqueue_indirect_dma source(%arg6 : memref<5000xf32, #tpu.memory_space<vmem>>) target(%dma_start3A_20 : memref<4096xf32, #tpu.memory_space<vmem_shared>>) offsets(%arg5 : memref<5000xi32, #tpu.memory_space<vmem>>) semaphore(%run_scoped3A : memref<!tpu.dma_semaphore, #tpu.memory_space<semaphore_mem>>) {add = true}
      %dma_wait3A_21 = arith.constant 0 : i32
      %dma_wait3A_22 = tpu.memref_slice %arg8[%dma_wait3A_21] : memref<4096xf32, #tpu.memory_space<vmem_shared>> -> memref<4096xf32, #tpu.memory_space<vmem_shared>>
      tpu.wait_indirect_dma semaphore(%run_scoped3A : memref<!tpu.dma_semaphore, #tpu.memory_space<semaphore_mem>>) src(%arg6 : memref<5000xf32, #tpu.memory_space<vmem>>) dst(%dma_wait3A_22 : memref<4096xf32, #tpu.memory_space<vmem_shared>>)
      tpu.yield
    }) : () -> ()
    %barrier3A_13 = arith.constant 0 : index
    tpu.barrier barrier_id(%barrier3A_13)
    %eq3A_14 = arith.constant 0 : i32
    %eq3A_15 = arith.cmpi eq, %arg1, %eq3A_14 : i32
    %convert_element_type3A_16 = arith.extui %eq3A_15 : i1 to i32
    %cond3A_17 = arith.constant 0 : i32
    %cond3A_18 = arith.cmpi ne, %convert_element_type3A_16, %cond3A_17 : i32
    scf.if %cond3A_18 {
      "tpu.region"() ({
        %run_scoped3A = tpu.sem_alloc : memref<!tpu.dma_semaphore, #tpu.memory_space<semaphore_mem>>
        %dma_start3A_19 = arith.constant 0 : i32
        %dma_start3A_20 = tpu.memref_slice %arg4[%arg0, %dma_start3A_19] : memref<2x4096xf32, #tpu.memory_space<hbm>> -> memref<1x4096xf32, #tpu.memory_space<hbm>>
        %dma_start3A_21 = tpu.memref_squeeze %dma_start3A_20 : memref<1x4096xf32, #tpu.memory_space<hbm>> -> memref<4096xf32, #tpu.memory_space<hbm>>
        tpu.enqueue_dma source(%arg8 : memref<4096xf32, #tpu.memory_space<vmem_shared>>) target(%dma_start3A_21 : memref<4096xf32, #tpu.memory_space<hbm>>) target_semaphore(%run_scoped3A : memref<!tpu.dma_semaphore, #tpu.memory_space<semaphore_mem>>)
        %dma_wait3A_22 = arith.constant 0 : i32
        %dma_wait3A_23 = tpu.memref_slice %arg4[%arg0, %dma_wait3A_22] : memref<2x4096xf32, #tpu.memory_space<hbm>> -> memref<1x4096xf32, #tpu.memory_space<hbm>>
        %dma_wait3A_24 = tpu.memref_squeeze %dma_wait3A_23 : memref<1x4096xf32, #tpu.memory_space<hbm>> -> memref<4096xf32, #tpu.memory_space<hbm>>
        tpu.wait_dma2 semaphore(%run_scoped3A : memref<!tpu.dma_semaphore, #tpu.memory_space<semaphore_mem>>) src(%arg8 : memref<4096xf32, #tpu.memory_space<vmem_shared>>) dst(%dma_wait3A_24 : memref<4096xf32, #tpu.memory_space<hbm>>)
        tpu.yield
      }) : () -> ()
    } else {
    }
    return
  }
}

module attributes {stable_mosaic.version = 14 : i64} {
  func.func @_mlp_body(%arg0: i32, %arg1: memref<8000x128xf32, #tpu.memory_space<vmem>>, %arg2: memref<128x64xf32, #tpu.memory_space<vmem>>, %arg3: memref<1x64xf32, #tpu.memory_space<vmem>>, %arg4: memref<1x64xf32, #tpu.memory_space<vmem>>, %arg5: memref<1x1xf32, #tpu.memory_space<vmem>>, %arg6: memref<1x1x8000xf32, #tpu.memory_space<vmem>>) attributes {dimension_semantics = [#tpu.dimension_semantics<arbitrary>], iteration_bounds = array<i64: 20>, scalar_prefetch = 0 : i64, scratch_operands = 0 : i64, tpu.core_type = #tpu.core_type<tc>, window_params = [{transform_indices = @transform_0, window_bounds = array<i64: 8000, 128>}, {pipeline_mode = #tpu.pipeline_mode<synchronous>, transform_indices = @transform_1, window_bounds = array<i64: 128, 64>}, {pipeline_mode = #tpu.pipeline_mode<synchronous>, transform_indices = @transform_2, window_bounds = array<i64: 1, 64>}, {pipeline_mode = #tpu.pipeline_mode<synchronous>, transform_indices = @transform_3, window_bounds = array<i64: 1, 64>}, {pipeline_mode = #tpu.pipeline_mode<synchronous>, transform_indices = @transform_4, window_bounds = array<i64: 1, 1>}, {transform_indices = @transform_5, window_bounds = array<i64: 1, 1, 8000>}]} {
    %get3A = arith.constant 0 : index
    %get3A_0 = arith.constant 0 : index
    %get3A_1 = vector.load %arg1[%get3A, %get3A_0] : memref<8000x128xf32, #tpu.memory_space<vmem>>, vector<8000x128xf32>
    %get3A_2 = arith.constant 0 : index
    %get3A_3 = arith.constant 0 : index
    %get3A_4 = vector.load %arg2[%get3A_2, %get3A_3] : memref<128x64xf32, #tpu.memory_space<vmem>>, vector<128x64xf32>
    %dot_general3A = arith.constant dense<0.000000e+00> : vector<8000x64xf32>
    %dot_general3A_5 = tpu.matmul %get3A_1, %get3A_4, %dot_general3A {dimension_numbers = #tpu.dot_dimension_numbers<[1], [0], [0], [1], [0, 0, 1, 1], [], []>, transpose_lhs_hint = false} : vector<8000x128xf32>, vector<128x64xf32>, vector<8000x64xf32> -> vector<8000x64xf32>
    %get3A_6 = arith.constant 0 : index
    %get3A_7 = arith.constant 0 : index
    %get3A_8 = vector.load %arg3[%get3A_6, %get3A_7] : memref<1x64xf32, #tpu.memory_space<vmem>>, vector<1x64xf32>
    %add3A = vector.broadcast %get3A_8 : vector<1x64xf32> to vector<8000x64xf32>
    %add3A_9 = arith.addf %dot_general3A_5, %add3A : vector<8000x64xf32>
    %exp3A = math.exp %add3A_9 : vector<8000x64xf32>
    %log1p3A = math.log1p %exp3A : vector<8000x64xf32>
    %sub3A = arith.constant 0.693147182 : f32
    %sub3A_10 = vector.broadcast %sub3A : f32 to vector<8000x64xf32>
    %sub3A_11 = arith.subf %log1p3A, %sub3A_10 : vector<8000x64xf32>
    %get3A_12 = arith.constant 0 : index
    %get3A_13 = arith.constant 0 : index
    %get3A_14 = vector.load %arg4[%get3A_12, %get3A_13] : memref<1x64xf32, #tpu.memory_space<vmem>>, vector<1x64xf32>
    %dot_general3A_15 = arith.constant dense<0.000000e+00> : vector<1x8000xf32>
    %dot_general3A_16 = tpu.matmul %get3A_14, %sub3A_11, %dot_general3A_15 {dimension_numbers = #tpu.dot_dimension_numbers<[1], [1], [0], [0], [0, 0, 1, 0], [], []>, transpose_lhs_hint = false} : vector<1x64xf32>, vector<8000x64xf32>, vector<1x8000xf32> -> vector<1x8000xf32>
    %get3A_17 = arith.constant 0 : index
    %get3A_18 = arith.constant 0 : index
    %get3A_19 = vector.load %arg5[%get3A_17, %get3A_18] : memref<1x1xf32, #tpu.memory_space<vmem>>, vector<1x1xf32>
    %add3A_20 = vector.broadcast %get3A_19 : vector<1x1xf32> to vector<1x8000xf32>
    %add3A_21 = arith.addf %dot_general3A_16, %add3A_20 : vector<1x8000xf32>
    %broadcast_in_dim3A = vector.shape_cast %add3A_21 : vector<1x8000xf32> to vector<1x1x8000xf32>
    %swap3A = arith.constant 0 : index
    %swap3A_22 = arith.constant 0 : index
    %swap3A_23 = arith.constant 0 : index
    %swap3A_24 = vector.load %arg6[%swap3A, %swap3A_22, %swap3A_23] : memref<1x1x8000xf32, #tpu.memory_space<vmem>>, vector<1x1x8000xf32>
    tpu.vector_store %arg6[%swap3A, %swap3A_22, %swap3A_23], %broadcast_in_dim3A {strides = array<i32>} : memref<1x1x8000xf32, #tpu.memory_space<vmem>>, vector<1x1x8000xf32>,
    return
  }
  func.func @transform_0(%arg0: i32) -> (i32, i32) {
    %add3A = arith.constant 20 : i32
    %add3A_0 = arith.addi %arg0, %add3A : i32
    %c0_i32 = arith.constant 0 : i32
    %c0_i32_1 = arith.constant 0 : i32
    return %add3A_0, %c0_i32 : i32, i32
  }
  func.func @transform_1(%arg0: i32) -> (i32, i32) {
    %c0_i32 = arith.constant 0 : i32
    %c0_i32_0 = arith.constant 0 : i32
    %c0_i32_1 = arith.constant 0 : i32
    return %c0_i32, %c0_i32_0 : i32, i32
  }
  func.func @transform_2(%arg0: i32) -> (i32, i32) {
    %c0_i32 = arith.constant 0 : i32
    %c0_i32_0 = arith.constant 0 : i32
    %c0_i32_1 = arith.constant 0 : i32
    return %c0_i32, %c0_i32_0 : i32, i32
  }
  func.func @transform_3(%arg0: i32) -> (i32, i32) {
    %c0_i32 = arith.constant 0 : i32
    %c0_i32_0 = arith.constant 0 : i32
    %c0_i32_1 = arith.constant 0 : i32
    return %c0_i32, %c0_i32_0 : i32, i32
  }
  func.func @transform_4(%arg0: i32) -> (i32, i32) {
    %c0_i32 = arith.constant 0 : i32
    %c0_i32_0 = arith.constant 0 : i32
    %c0_i32_1 = arith.constant 0 : i32
    return %c0_i32, %c0_i32_0 : i32, i32
  }
  func.func @transform_5(%arg0: i32) -> (i32, i32, i32) {
    %c0_i32 = arith.constant 0 : i32
    %c0_i32_0 = arith.constant 0 : i32
    %c0_i32_1 = arith.constant 0 : i32
    return %arg0, %c0_i32, %c0_i32_0 : i32, i32, i32
  }
}

module attributes {stable_mosaic.version = 14 : i64} {
  func.func @_mlp_body(%arg0: i32, %arg1: memref<8000x128xf32, #tpu.memory_space<vmem>>, %arg2: memref<128x64xf32, #tpu.memory_space<vmem>>, %arg3: memref<1x64xf32, #tpu.memory_space<vmem>>, %arg4: memref<1x64xf32, #tpu.memory_space<vmem>>, %arg5: memref<1x1xf32, #tpu.memory_space<vmem>>, %arg6: memref<1x1x8000xf32, #tpu.memory_space<vmem>>) attributes {dimension_semantics = [#tpu.dimension_semantics<arbitrary>], iteration_bounds = array<i64: 20>, scalar_prefetch = 0 : i64, scratch_operands = 0 : i64, tpu.core_type = #tpu.core_type<tc>, window_params = [{transform_indices = @transform_0, window_bounds = array<i64: 8000, 128>}, {pipeline_mode = #tpu.pipeline_mode<synchronous>, transform_indices = @transform_1, window_bounds = array<i64: 128, 64>}, {pipeline_mode = #tpu.pipeline_mode<synchronous>, transform_indices = @transform_2, window_bounds = array<i64: 1, 64>}, {pipeline_mode = #tpu.pipeline_mode<synchronous>, transform_indices = @transform_3, window_bounds = array<i64: 1, 64>}, {pipeline_mode = #tpu.pipeline_mode<synchronous>, transform_indices = @transform_4, window_bounds = array<i64: 1, 1>}, {transform_indices = @transform_5, window_bounds = array<i64: 1, 1, 8000>}]} {
    %get3A = arith.constant 0 : index
    %get3A_0 = arith.constant 0 : index
    %get3A_1 = vector.load %arg1[%get3A, %get3A_0] : memref<8000x128xf32, #tpu.memory_space<vmem>>, vector<8000x128xf32>
    %get3A_2 = arith.constant 0 : index
    %get3A_3 = arith.constant 0 : index
    %get3A_4 = vector.load %arg2[%get3A_2, %get3A_3] : memref<128x64xf32, #tpu.memory_space<vmem>>, vector<128x64xf32>
    %dot_general3A = arith.constant dense<0.000000e+00> : vector<8000x64xf32>
    %dot_general3A_5 = tpu.matmul %get3A_1, %get3A_4, %dot_general3A {dimension_numbers = #tpu.dot_dimension_numbers<[1], [0], [0], [1], [0, 0, 1, 1], [], []>, transpose_lhs_hint = false} : vector<8000x128xf32>, vector<128x64xf32>, vector<8000x64xf32> -> vector<8000x64xf32>
    %get3A_6 = arith.constant 0 : index
    %get3A_7 = arith.constant 0 : index
    %get3A_8 = vector.load %arg3[%get3A_6, %get3A_7] : memref<1x64xf32, #tpu.memory_space<vmem>>, vector<1x64xf32>
    %add3A = vector.broadcast %get3A_8 : vector<1x64xf32> to vector<8000x64xf32>
    %add3A_9 = arith.addf %dot_general3A_5, %add3A : vector<8000x64xf32>
    %exp3A = math.exp %add3A_9 : vector<8000x64xf32>
    %log1p3A = math.log1p %exp3A : vector<8000x64xf32>
    %sub3A = arith.constant 0.693147182 : f32
    %sub3A_10 = vector.broadcast %sub3A : f32 to vector<8000x64xf32>
    %sub3A_11 = arith.subf %log1p3A, %sub3A_10 : vector<8000x64xf32>
    %get3A_12 = arith.constant 0 : index
    %get3A_13 = arith.constant 0 : index
    %get3A_14 = vector.load %arg4[%get3A_12, %get3A_13] : memref<1x64xf32, #tpu.memory_space<vmem>>, vector<1x64xf32>
    %dot_general3A_15 = arith.constant dense<0.000000e+00> : vector<1x8000xf32>
    %dot_general3A_16 = tpu.matmul %get3A_14, %sub3A_11, %dot_general3A_15 {dimension_numbers = #tpu.dot_dimension_numbers<[1], [1], [0], [0], [0, 0, 1, 0], [], []>, transpose_lhs_hint = false} : vector<1x64xf32>, vector<8000x64xf32>, vector<1x8000xf32> -> vector<1x8000xf32>
    %get3A_17 = arith.constant 0 : index
    %get3A_18 = arith.constant 0 : index
    %get3A_19 = vector.load %arg5[%get3A_17, %get3A_18] : memref<1x1xf32, #tpu.memory_space<vmem>>, vector<1x1xf32>
    %add3A_20 = vector.broadcast %get3A_19 : vector<1x1xf32> to vector<1x8000xf32>
    %add3A_21 = arith.addf %dot_general3A_16, %add3A_20 : vector<1x8000xf32>
    %broadcast_in_dim3A = vector.shape_cast %add3A_21 : vector<1x8000xf32> to vector<1x1x8000xf32>
    %swap3A = arith.constant 0 : index
    %swap3A_22 = arith.constant 0 : index
    %swap3A_23 = arith.constant 0 : index
    %swap3A_24 = vector.load %arg6[%swap3A, %swap3A_22, %swap3A_23] : memref<1x1x8000xf32, #tpu.memory_space<vmem>>, vector<1x1x8000xf32>
    tpu.vector_store %arg6[%swap3A, %swap3A_22, %swap3A_23], %broadcast_in_dim3A {strides = array<i32>} : memref<1x1x8000xf32, #tpu.memory_space<vmem>>, vector<1x1x8000xf32>,
    return
  }
  func.func @transform_0(%arg0: i32) -> (i32, i32) {
    %add3A = arith.constant 0 : i32
    %add3A_0 = arith.addi %arg0, %add3A : i32
    %c0_i32 = arith.constant 0 : i32
    %c0_i32_1 = arith.constant 0 : i32
    return %add3A_0, %c0_i32 : i32, i32
  }
  func.func @transform_1(%arg0: i32) -> (i32, i32) {
    %c0_i32 = arith.constant 0 : i32
    %c0_i32_0 = arith.constant 0 : i32
    %c0_i32_1 = arith.constant 0 : i32
    return %c0_i32, %c0_i32_0 : i32, i32
  }
  func.func @transform_2(%arg0: i32) -> (i32, i32) {
    %c0_i32 = arith.constant 0 : i32
    %c0_i32_0 = arith.constant 0 : i32
    %c0_i32_1 = arith.constant 0 : i32
    return %c0_i32, %c0_i32_0 : i32, i32
  }
  func.func @transform_3(%arg0: i32) -> (i32, i32) {
    %c0_i32 = arith.constant 0 : i32
    %c0_i32_0 = arith.constant 0 : i32
    %c0_i32_1 = arith.constant 0 : i32
    return %c0_i32, %c0_i32_0 : i32, i32
  }
  func.func @transform_4(%arg0: i32) -> (i32, i32) {
    %c0_i32 = arith.constant 0 : i32
    %c0_i32_0 = arith.constant 0 : i32
    %c0_i32_1 = arith.constant 0 : i32
    return %c0_i32, %c0_i32_0 : i32, i32
  }
  func.func @transform_5(%arg0: i32) -> (i32, i32, i32) {
    %c0_i32 = arith.constant 0 : i32
    %c0_i32_0 = arith.constant 0 : i32
    %c0_i32_1 = arith.constant 0 : i32
    return %arg0, %c0_i32, %c0_i32_0 : i32, i32, i32
  }
}

</mosaic_0001>

<sc_bundles>
// kernel: kernel.6.cloned.1.call-start
scs
__scs_entry_jumppad:
0x0: {  	(pc) =	sbr.rel $0x88, $3  }
0x1: {  	(tag) =	ssettag $0x0;
	lr =	simm.s32 $0x1  }
0x2: {  	[smem:$0x3F9B] =	sst lr;
	_ =	strace $0xD0000000  }
0x3: {  	_ = 	snop  }
0x4: {  	_ = 	snop  }
0x5: {  	_ = 	snop  }
0x6: {  	_ = 	snop  }
0x7: {  	_ = 	snop  }
__scs_overlays_trampoline_lowered:
0x8: {  	[smem:$0x3FAA] =	sst s0  }
0x9: {  	[smem:$0x3FAB] =	sst s1  }
0xa: {  	[smem:$0x3FAC] =	sst s2  }
0xb: {  	[smem:$0x3FAD] =	sst s3  }
0xc: {  	[smem:$0x3FAE] =	sst s4  }
0xd: {  	[smem:$0x3FAF] =	sst s5  }
0xe: {  	[smem:$0x3FB0] =	sst s6  }
0xf: {  	[smem:$0x3FB1] =	sst s7  }
0x10: {  	[smem:$0x3FB2] =	sst s8  }
0x11: {  	[smem:$0x3FB3] =	sst s9;
	s0 =	simm.s32 @!p0 $0x0  }
0x12: {  	s1 =	sld [smem:$0x3F99];
	s0 =	simm.s32 @p0 $0x1  }
0x13: {  	[smem:$0x3FB4] =	sst s0;
	s0 =	simm.s32 @!p1 $0x0  }
0x14: {  	s2 =	sld [smem:$0x3F98];
	s0 =	simm.s32 @p1 $0x1  }
0x15: {  	[smem:$0x3FB5] =	sst s0;
	s0 =	simm.s32 @!p2 $0x0  }
0x16: {  	s3 =	sld [smem:$0x3FDB];
	s0 =	simm.s32 @p2 $0x1  }
0x17: {  	s4 =	simm.s32 $0x1BF5;
	[smem:$0x3FB7] =	sst s0  }
0x18: {  	s0 =	sld [smem:$0x3F9A];
	_ =	swait.ge [sflag:s4], $0x0  }
0x19: {  	s7 =	sld [smem:$0x3F9B]  }
0x1a: {  	s8 =	sadd.s32 $0xFFFFE003, lr  }
0x1b: {  	s9 =	sadd.s32 $0xFFFFFEF7, lr;
	s5 =	simm.s32 $0xFFFFFFFF;
	p2 =	slt.u32 s8, $0xFFFFF086  }
0x1c: {  	p1 =	slt.u32 s9, $0xF7A;
	s5 =	simm.s32 @!p2 $0x0  }
0x1d: {  	s5 =	simm.s32 @p1 $0x1;
	p0 =	seq.s32 s7, s2  }
0x1e: {  	s7 =	smul.u32 @!p0 $0xF7A, s2;
	p2 =	seq.s32 @!p0 s5, $0x0  }
0x1f: {  	s9 =	smul.u32 $0xF7A, s1;
	s8 =	simm.s32 @!p0 $0x1BF5;
	p2 =	por !p2, p0  }
0x20: {  	[sflag:s8] =	ssyncset.s32 @!p0 $0xFFFFF086;
	s6 =	sadd.s32 @!p0 s3, s7;
	s7 =	simm.s32 @!p0 $0x108  }
0x21: {  	s3 =	sadd.s32 s3, s9;
	s6 =	sadd.s32 @!p0 $0x88, s6;
	s7 =	simm.s32 @p2 $0x1082  }
0x22: {  	[simem:s7], [sflag:s8] =	dma.local @!p0 [hbm:s6], $0xF7A  }
0x23: {  	s9 =	sor.u32 $0xD0000000, s2;
	s6 =	simm.s32 $0x108;
	_ =	swait.ge @!p0 [sflag:s8], $0x0  }
0x24: {  	s3 =	sadd.s32 $0x88, s3;
	s6 =	simm.s32 @!p1 $0x1082;
	[sflag:s4] =	ssyncset.s32 $0xFFFFF086  }
0x25: {  	[simem:s6], [sflag:s4] =	dma.local [hbm:s3], $0xF7A  }
0x26: {  	[smem:$0x3F9B] =	sst s1;
	(tag) =	ssettag s2;
	_ =	strace s9  }
0x27: {  	s1 =	sld [smem:$0x3FAB]  }
0x28: {  	s2 =	sld [smem:$0x3FAC]  }
0x29: {  	s4 =	sld [smem:$0x3FAE]  }
0x2a: {  	p0 =	seq.s32 s5, $0x0;
	s5 =	sld [smem:$0x3FAF]  }
0x2b: {  	s6 =	sld [smem:$0x3FB0]  }
0x2c: {  	s7 =	sld [smem:$0x3FB1]  }
0x2d: {  	s3 =	simm.s32 $0x108;
	s8 =	sld [smem:$0x3FB2]  }
0x2e: {  	s3 =	simm.s32 @!p0 $0x1082;
	s9 =	sld [smem:$0x3FB3]  }
0x2f: {  	lr =	sadd.s32 s0, s3;
	s0 =	sld [smem:$0x3FAA]  }
0x30: {  	s3 =	sld [smem:$0x3FAD]  }
0x31: {  	[smem:$0x3FB6] =	sst s10  }
0x32: {  	s10 =	sld [smem:$0x3FB4];
	_ =	sdelay $0x3  }
0x33: {  	p0 =	seq.s32 s10, $0x1;
	s10 =	sld [smem:$0x3FB6];
	_ =	sdelay $0x3  }
0x34: {  	[smem:$0x3FB6] =	sst s10  }
0x35: {  	s10 =	sld [smem:$0x3FB5];
	_ =	sdelay $0x3  }
0x36: {  	p1 =	seq.s32 s10, $0x1;
	s10 =	sld [smem:$0x3FB6];
	_ =	sdelay $0x3  }
0x37: {  	[smem:$0x3FB6] =	sst s10  }
0x38: {  	s10 =	sld [smem:$0x3FB7]  }
0x39: {  	_ = 	snop;
	(pc) =	sbr.ind lr, $3  }
0x3a: {  	_ = 	snop  }
0x3b: {  	_ = 	snop  }
0x3c: {  	p2 =	seq.s32 s10, $0x1;
	s10 =	sld [smem:$0x3FB6]  }
0x3d: {  	_ =	shalt  }
0x3e: {  	_ =	shalt  }
0x3f: {  	_ =	shalt  }
0x40: {  	_ =	shalt  }
0x41: {  	_ =	shalt  }
0x42: {  	_ =	shalt  }
0x43: {  	_ =	shalt  }
0x44: {  	_ =	shalt  }
0x45: {  	_ =	shalt  }
0x46: {  	_ =	shalt  }
0x47: {  	_ =	shalt  }
0x48: {  	_ =	shalt  }
0x49: {  	_ =	shalt  }
0x4a: {  	_ =	shalt  }
0x4b: {  	_ =	shalt  }
0x4c: {  	_ =	shalt  }
0x4d: {  	_ =	shalt  }
0x4e: {  	_ =	shalt  }
0x4f: {  	_ =	shalt  }
0x50: {  	_ =	shalt  }
0x51: {  	_ =	shalt  }
0x52: {  	_ =	shalt  }
0x53: {  	_ =	shalt  }
0x54: {  	_ =	shalt  }
0x55: {  	_ =	shalt  }
0x56: {  	_ =	shalt  }
0x57: {  	_ =	shalt  }
0x58: {  	_ =	shalt  }
0x59: {  	_ =	shalt  }
0x5a: {  	_ =	shalt  }
0x5b: {  	_ =	shalt  }
0x5c: {  	_ =	shalt  }
0x5d: {  	_ =	shalt  }
0x5e: {  	_ =	shalt  }
0x5f: {  	_ =	shalt  }
0x60: {  	_ =	shalt  }
0x61: {  	_ =	shalt  }
0x62: {  	_ =	shalt  }
0x63: {  	_ =	shalt  }
0x64: {  	_ =	shalt  }
0x65: {  	_ =	shalt  }
0x66: {  	_ =	shalt  }
0x67: {  	_ =	shalt  }
0x68: {  	_ =	shalt  }
0x69: {  	_ =	shalt  }
0x6a: {  	_ =	shalt  }
0x6b: {  	_ =	shalt  }
0x6c: {  	_ =	shalt  }
0x6d: {  	_ =	shalt  }
0x6e: {  	_ =	shalt  }
0x6f: {  	_ =	shalt  }
0x70: {  	_ =	shalt  }
0x71: {  	_ =	shalt  }
0x72: {  	_ =	shalt  }
0x73: {  	_ =	shalt  }
0x74: {  	_ =	shalt  }
0x75: {  	_ =	shalt  }
0x76: {  	_ =	shalt  }
0x77: {  	_ =	shalt  }
0x78: {  	_ =	shalt  }
0x79: {  	_ =	shalt  }
0x7a: {  	_ =	shalt  }
0x7b: {  	_ =	shalt  }
0x7c: {  	_ =	shalt  }
0x7d: {  	_ =	shalt  }
0x7e: {  	_ =	shalt  }
0x7f: {  	_ =	shalt  }
0x80: {  	_ =	shalt  }
0x81: {  	_ =	shalt  }
0x82: {  	_ =	shalt  }
0x83: {  	_ =	shalt  }
0x84: {  	_ =	shalt  }
0x85: {  	_ =	shalt  }
0x86: {  	_ =	shalt  }
0x87: {  	_ =	shalt  }
.Lfunc_end0:
.L_simem_size_0:
called_computation_lowered:
.L_overlay_start_0:
0x88: {  	s2 =	sld [smem:$0x3FD9]  }
0x89: {  	s3 =	sld [smem:$0x3FFE];
	_ =	sdelay $0x1  }
0x8a: {  	s1 =	srdreg.scid  }
0x8b: {  	s0 =	sand.u32 $0x1, s1  }
0x8c: {  	s17 =	sshll.u32 s0, $0xA;
	s2 =	sadd.s32 s3, s2  }
0x8d: {  	s2 =	sadd.s32 s2, s17  }
0x8e: {  	[smem:$0x3FC2] =	sst s2  }
0x8f: {  	_ = 	snop  }
0x90: {  	s18 =	sld [smem:$0x3FC8];
	(tm) =	ssettm $0x1  }
0x91: {  	s19 =	sld [smem:$0x3FFB];
	_ =	sdelay $0x3  }
0x92: {  	_ =	strace s19  }
0x93: {  	s2 =	sld [smem:$0x3FFC];
	_ =	sdelay $0x3  }
0x94: {  	_ =	strace s2  }
0x95: {  	s2 =	sld [smem:$0x3FFD];
	_ =	sdelay $0x3  }
0x96: {  	_ =	strace s2  }
0x97: {  	_ =	strace $0x8FFFFFFF  }
0x98: {  	s20 =	sld [smem:$0x3FDB];
	_ =	sdelay $0x1  }
0x99: {  	s4 =	simm.s32 $_scs_section_size  }
0x9a: {  	s5 =	simm.s32 $_size__tile_overlayer_lowered;
	s6 =	simm.s32 $_tile_overlayer_lowered  }
0x9b: {  	s7 =	simm.s32 $0x1BFF;
	s21 =	sshll.u32 s6, $0x1;
	s4 =	sadd.s32 s4, s20  }
0x9c: {  	s22 =	simm.s32 $0x0;
	s5 =	sshll.u32 s5, $0x1;
	s6 =	sadd.s32 s21, s4  }
0x9d: {  	[timem:s22], [sflag:s7] =	dma.local [hbm:s6], s5  }
0x9e: {  	_ =	swait.ge [sflag:s7], s5  }
0x9f: {  	s5 =	ssub.s32 $0x0, s5;
	[sflag:s7] =	ssyncset.done $0x0  }
0xa0: {  	[sflag:s7] =	ssyncadd.s32 s5;
	_ =	sdelay $0x1  }
0xa1: {  	s23 =	simm.s32 $0x1B8B  }
0xa2: {  	_ =	swait.ge [sflag:s23], $0x1  }
0xa3: {  	[sflag:s23] =	ssyncset.done $0x0  }
0xa4: {  	[sflag:s23] =	ssyncadd.s32 $0xFFFFFFFF  }
0xa5: {  	s5 =	sld [smem:$0x0]  }
0xa6: {  	s6 =	sand.u32 $0xFFFFFFFE, s1  }
0xa7: {  	p0 =	sne.s32 s1, s6  }
0xa8: {  	s6 =	sshll.u32 @p0 s6, $0xE  }
0xa9: {  	s6 =	sadd.s32 @p0 $0x11B8D, s6;
	s7 =	sshll.u32 @p0 s5, $0x11  }
0xaa: {  	s6 =	sor.u32 @p0 s7, s6  }
0xab: {  	[sflag:s6] =	ssyncadd.remote.s32 @p0 $0x1;
	_ =	sdelay $0x1  }
0xac: {  	s6 =	simm.s32 @p0 $0x1B8D  }
0xad: {  	_ =	swait.eq @p0 [sflag:s6], $0x1  }
0xae: {  	[sflag:s6] =	ssyncadd.s32 @p0 $0xFFFFFFFF  }
0xaf: {  	s7 =	sshll.u32 @!p0 s1, $0xE  }
0xb0: {  	s7 =	sor.u32 @!p0 $0x4000, s7;
	s6 =	simm.s32 @!p0 $0x1B8D  }
0xb1: {  	s5 =	sshll.u32 @!p0 s5, $0x11;
	s7 =	sadd.s32 @!p0 $0x11B8D, s7;
	_ =	swait.eq @!p0 [sflag:s6], $0x1  }
0xb2: {  	s5 =	sor.u32 @!p0 s5, s7;
	[sflag:s6] =	ssyncadd.s32 @!p0 $0xFFFFFFFF  }
0xb3: {  	s25 =	simm.s32 $0x1B8E;
	s24 =	sld [smem:$0x3FFE];
	[sflag:s5] =	ssyncadd.remote.s32 @!p0 $0x1  }
0xb4: {  	s26 =	simm.s32 $execute0_lowered;
	[smem:$0x3FD2] =	sst s25  }
0xb5: {  	s6 =	sshll.u32 s26, $0x1;
	_ =	strace $0x80000049;
	[dreg:$0x1] =	wrdreg $0xFFFFFFFF  }
0xb6: {  	s28 =	simm.s32 $_size_execute0_lowered;
	s4 =	sadd.s32 s4, s6;
	[dreg:$0x0] =	wrdreg $0x0  }
0xb7: {  	s6 =	sshll.u32 s28, $0x1;
	[dreg:$0x2] =	wrdreg s4  }
0xb8: {  	[dreg:$0x3] =	wrdreg s6  }
0xb9: {  	[dreg:$0x4] =	wrdreg $0xC0  }
0xba: {  	_ =	task [dreg:s22], $0x5FFFF  }
0xbb: {  	[dreg:$0x1] =	wrdreg $0xFFFFFFFF  }
0xbc: {  	[dreg:$0x0] =	wrdreg $0x60  }
0xbd: {  	[dreg:$0x2] =	wrdreg s18  }
0xbe: {  	[dreg:$0x3] =	wrdreg s24  }
0xbf: {  	[dreg:$0x4] =	wrdreg $0x38000  }
0xc0: {  	[dreg:$0x5] =	wrdreg $0x9  }
0xc1: {  	_ =	task.clear_ibuf [dreg:s22], $0x6FFFF;
	_ =	strace $0x90000049  }
0xc2: {  	s29 =	simm.s32 $0x9;
	_ =	strace $0x8000004B  }
0xc3: {  	_ =	swait.ge [sflag:s29], $0x1  }
0xc4: {  	[sflag:s29] =	ssyncadd.s32 $0xFFFFFFFF  }
0xc5: {  	_ =	strace $0x9000004B  }
0xc6: {  	_ =	sfence  }
0xc7: {  	s30 =	sld [smem:$0x0];
	_ =	sdelay $0x2  }
0xc8: {  	s31 =	sshll.u32 s1, $0xD;
	s1 =	sshrl.u32 s1, $0x2  }
0xc9: {  	s4 =	sand.u32 $0x4000, s31;
	s1 =	sadd.s32 s1, s30  }
0xca: {  	s0 =	sor.u32 s4, s0;
	s1 =	sshll.u32 s1, $0x11  }
0xcb: {  	s0 =	sor.u32 s1, s0  }
0xcc: {  	s0 =	sadd.s32 $0x8F2B, s0  }
0xcd: {  	[sflag:s0] =	ssyncadd.remote.s32 $0x1  }
0xce: {  	_ =	sfence.sel $0xFFFF  }
0xcf: {  	[dreg:$0x0] =	wrdreg $0xFFFFFFFF;
	(pc) =	sbr.abs _section_cstart, $3  }
0xd0: {  	[dreg:$0x1] =	wrdreg $0xFFFFFFFF  }
0xd1: {  	_ =	task.clear_ibuf [dreg:s22], $0x2FFFF;
	_ =	strace $0x9FFFFFFF  }
0xd2: {  	(tm) =	ssettm $0x7FFFFFFF  }
0xd3: {  	_ =	shalt  }
tec
execute0_lowered:
.L_overlay_start_1:
0x0: {  	(tag) =	ssettag $0x1  }
0x1: {  	s3 =	rddreg [dreg:$0x0]  }
0x2: {  	s4 =	rddreg [dreg:$0x1];
	s0 =	srdreg.scid  }
0x3: {  	s7 =	stileid.u32;
	s1 =	rddreg [dreg:$0x2];
	s2 =	simm.s32 $0x0  }
0x4: {  	s11 =	simm.s32 $0x2;
	s12 =	simm.s32 $0x1388;
	s14 =	simm.s32 $0x0  }
0x5: {  	s5 =	sand.u32 $0x1, s0;
	s6 =	sshll.u32 s7, $0x1;
	s0 =	rddreg [dreg:$0x3]  }
0x6: {  	[smem:$0x7FF] =	sst s2;
	p0 =	sne.s32 s7, $0x0;
	s7 =	simm.s32 $0x1400  }
0x7: {  	s6 =	sor.u32 s5, s6;
	_ =	strace $0x8000004A;
	s8 =	ssub.s32 $0x2, s5  }
.Ltmp0:
0x8: {  	s5 =	sshll.u32 s5, $0x4;
	s13 =	sshrl.u32 @!p0 s1, $0x3;
	(pc) =	sbr.rel .LBB2_1-.Ltmp0, $4  }
0x9: {  	s6 =	smul.u32 $0x271, s6;
	s10 =	sshrl.u32 s8, $0x1;
	s5 =	sadd.s32 s5, s4  }
0xa: {  	s8 =	ssub.s32 s8, s10;
	s5 =	sadd.s32 $0xA600, s5;
	s10 =	simm.s32 $0x1  }
0xb: {  	s9 =	sadd.s32 s6, s4;
	s3 =	sadd.s32 s3, s6;
	s6 =	smax.u32 s8, $0x1  }
0xc: {  	v0 =	vimm.f32 $0.0e+00;
	s8 =	simm.s32 $0x2800;
	s4 =	sadd.s32 $0x5600, s9;
	s9 =	simm.s32 $0x3  }
.LBB2_5:
0xd: {  	_ =	swait.ge [sflag:s10], $0x1388  }
0xe: {  	[sflag:s10] =	ssyncset.done $0x0  }
0xf: {  	[sflag:s10] =	ssyncadd.s32 $0xFFFFEC78  }
0x10: {  	_ =	swait.ge [sflag:s11], $0x1388  }
0x11: {  	[sflag:s11] =	ssyncset.done $0x0  }
0x12: {  	[sflag:s11] =	ssyncadd.s32 $0xFFFFEC78  }
0x13: {  	[bflag:$0x0] =	sbarrier.arrive $0xFFFF  }
0x14: {  	[spmem:s1] =	stream.indirect.scatter.add.f32 [tilespmem:s7], [sflag:$0x3], $0x1, s2, s12, $0xb8;
	[tilespmem:$0x3900] =	vst v63  }
0x15: {  	_ =	swait.ge [sflag:s9], $0x1388  }
0x16: {  	s15 =	simm.s32 @!p0 $0x1;
	s16 =	simm.s32 @!p0 $0x20;
	[sflag:s9] =	ssyncset.done $0x0  }
0x17: {  	s17 =	simm.s32 @!p0 $0x10;
	s14 =	sadd.s32 $0x1, s14;
	[sflag:s9] =	ssyncadd.s32 $0xFFFFEC78  }
0x18: {  	s18 =	simm.s32 @!p0 $0x1C03;
	p1 =	sne.s32 s14, s6;
	[bflag:$0x0] =	sbarrier.arrive $0xFFFF  }
0x19: {  	[hbm:s5@s16], [sflag:s18] =	dma.strided @!p0 [spmem:s13@s17], $0x200, s15, $0x10   }
.Ltmp1:
0x1a: {  	_ = 	snop;
	(pc) =	sbr.rel @!p1 .LBB2_6-.Ltmp1, $4  }
0x1b: {  	s15 =	simm.s32 @!p0 $0x3  }
0x1c: {  	_ =	swait.ge @!p0 [sflag:s15], $0x200  }
0x1d: {  	[sflag:s15] =	ssyncset.done @!p0 $0x0  }
0x1e: {  	[sflag:s15] =	ssyncadd.s32 @!p0 $0xFFFFFE00  }
.LBB2_1:
.Ltmp2:
0x1f: {  	(pc) =	sbr.rel @p0 .LBB2_5-.Ltmp2, $4  }
0x20: {  	_ = 	snop  }
0x21: {  	[tilespmem:s2], [sflag:$0x1] =	stream.linear.gather [hbm4b:s3+s2], $0x1388, $0x38;
	[tilespmem:$0x3900] =	vst v63  }
0x22: {  	_ = 	snop  }
0x23: {  	[tilespmem:s7], [sflag:$0x2] =	stream.linear.gather [hbm4b:s4+s2], $0x1388, $0x38;
	[tilespmem:$0x3900] =	vst v63  }
0x24: {  	s15 =	simm.s32 $0x40;
	s16 =	simm.s32 $0x0  }
.LBB2_3:
0x25: {  	p1 =	sne.s32 s15, $0x3FC0;
	[tilespmem:s16+$0x2800] =	vst v0;
	s16 =	smov.u32 s15;
	s15 =	sadd.s32 $0x40, s15  }
.Ltmp3:
0x26: {  	(pc) =	sbr.rel @p1 .LBB2_3-.Ltmp3, $2  }
0x27: {  	_ =	sdelay $0x2  }
0x28: {  	s16 =	sshra.s32 s16, $0x2  }
.Ltmp4:
0x29: {  	[tilespmem:s16+$0x2800] =	vst v0;
	(pc) =	sbr.rel .LBB2_5-.Ltmp4, $4  }
0x2a: {  	[spmem:s1] =	stream.linear.scatter [tilespmem:s8], [sflag:$0x3], $0x1000, $0x38;
	[tilespmem:$0x3900] =	vst v63  }
0x2b: {  	_ =	swait.ge [sflag:s9], $0x1000  }
0x2c: {  	[sflag:s9] =	ssyncset.done $0x0  }
0x2d: {  	[sflag:s9] =	ssyncadd.s32 $0xFFFFF000  }
.LBB2_6:
0x2e: {  	_ =	sfence.sel $0x180000  }
0x2f: {  	[bflag:$0x0] =	sbarrier.arrive $0xFFFF  }
0x30: {  	_ =	strace $0x9000004A  }
0x31: {  	s0 =	sadd.s32 @!p0 $0x100000, s0;
	[bflag:$0x2] =	sbarrier.arrive $0xFFFF  }
0x32: {  	[sflag:s0] =	ssyncadd.tile.s32 @!p0 $0x1;
	_ =	shalt  }
.Lfunc_end2:
_tile_overlayer_lowered:
.L_overlay_start_2:
0x33: {  	(tag) =	ssettag $0x2  }
0x34: {  	s0 =	rddreg [dreg:$0x0];
	s2 =	stileid.u32  }
0x35: {  	s1 =	rddreg [dreg:$0x1];
	p0 =	sne.s32 s2, $0x0  }
0x36: {  	s3 =	rddreg [dreg:$0x2];
	[bflag:$0x3] =	sbarrier.arrive $0xFFFF;
	s2 =	simm.s32 @!p0 $0x1C03  }
0x37: {  	[timem:s3], [sflag:s2] =	dma.local @!p0 [hbm:s0], s1  }
0x38: {  	s0 =	simm.s32 @!p0 $0x3  }
0x39: {  	_ =	swait.ge @!p0 [sflag:s0], s1  }
0x3a: {  	s1 =	ssub.s32 @!p0 $0x0, s1;
	[sflag:s0] =	ssyncset.done @!p0 $0x0  }
0x3b: {  	[sflag:s0] =	ssyncadd.s32 @!p0 s1  }
0x3c: {  	[bflag:$0x3] =	sbarrier.arrive $0xFFFF  }
0x3d: {  	_ =	shalt  }

// kernel: kernel.9.cloned.1.call-start
scs
__scs_entry_jumppad:
0x0: {  	(pc) =	sbr.rel $0x88, $3  }
0x1: {  	(tag) =	ssettag $0x0;
	lr =	simm.s32 $0x1  }
0x2: {  	[smem:$0x3F9B] =	sst lr;
	_ =	strace $0xD0000000  }
0x3: {  	_ = 	snop  }
0x4: {  	_ = 	snop  }
0x5: {  	_ = 	snop  }
0x6: {  	_ = 	snop  }
0x7: {  	_ = 	snop  }
__scs_overlays_trampoline_lowered:
0x8: {  	[smem:$0x3FAA] =	sst s0  }
0x9: {  	[smem:$0x3FAB] =	sst s1  }
0xa: {  	[smem:$0x3FAC] =	sst s2  }
0xb: {  	[smem:$0x3FAD] =	sst s3  }
0xc: {  	[smem:$0x3FAE] =	sst s4  }
0xd: {  	[smem:$0x3FAF] =	sst s5  }
0xe: {  	[smem:$0x3FB0] =	sst s6  }
0xf: {  	[smem:$0x3FB1] =	sst s7  }
0x10: {  	[smem:$0x3FB2] =	sst s8  }
0x11: {  	[smem:$0x3FB3] =	sst s9;
	s0 =	simm.s32 @!p0 $0x0  }
0x12: {  	s1 =	sld [smem:$0x3F99];
	s0 =	simm.s32 @p0 $0x1  }
0x13: {  	[smem:$0x3FB4] =	sst s0;
	s0 =	simm.s32 @!p1 $0x0  }
0x14: {  	s2 =	sld [smem:$0x3F98];
	s0 =	simm.s32 @p1 $0x1  }
0x15: {  	[smem:$0x3FB5] =	sst s0;
	s0 =	simm.s32 @!p2 $0x0  }
0x16: {  	s3 =	sld [smem:$0x3FDB];
	s0 =	simm.s32 @p2 $0x1  }
0x17: {  	s4 =	simm.s32 $0x1BF5;
	[smem:$0x3FB7] =	sst s0  }
0x18: {  	s0 =	sld [smem:$0x3F9A];
	_ =	swait.ge [sflag:s4], $0x0  }
0x19: {  	s7 =	sld [smem:$0x3F9B]  }
0x1a: {  	s8 =	sadd.s32 $0xFFFFE003, lr  }
0x1b: {  	s9 =	sadd.s32 $0xFFFFFEF7, lr;
	s5 =	simm.s32 $0xFFFFFFFF;
	p2 =	slt.u32 s8, $0xFFFFF086  }
0x1c: {  	p1 =	slt.u32 s9, $0xF7A;
	s5 =	simm.s32 @!p2 $0x0  }
0x1d: {  	s5 =	simm.s32 @p1 $0x1;
	p0 =	seq.s32 s7, s2  }
0x1e: {  	s7 =	smul.u32 @!p0 $0xF7A, s2;
	p2 =	seq.s32 @!p0 s5, $0x0  }
0x1f: {  	s9 =	smul.u32 $0xF7A, s1;
	s8 =	simm.s32 @!p0 $0x1BF5;
	p2 =	por !p2, p0  }
0x20: {  	[sflag:s8] =	ssyncset.s32 @!p0 $0xFFFFF086;
	s6 =	sadd.s32 @!p0 s3, s7;
	s7 =	simm.s32 @!p0 $0x108  }
0x21: {  	s3 =	sadd.s32 s3, s9;
	s6 =	sadd.s32 @!p0 $0x88, s6;
	s7 =	simm.s32 @p2 $0x1082  }
0x22: {  	[simem:s7], [sflag:s8] =	dma.local @!p0 [hbm:s6], $0xF7A  }
0x23: {  	s9 =	sor.u32 $0xD0000000, s2;
	s6 =	simm.s32 $0x108;
	_ =	swait.ge @!p0 [sflag:s8], $0x0  }
0x24: {  	s3 =	sadd.s32 $0x88, s3;
	s6 =	simm.s32 @!p1 $0x1082;
	[sflag:s4] =	ssyncset.s32 $0xFFFFF086  }
0x25: {  	[simem:s6], [sflag:s4] =	dma.local [hbm:s3], $0xF7A  }
0x26: {  	[smem:$0x3F9B] =	sst s1;
	(tag) =	ssettag s2;
	_ =	strace s9  }
0x27: {  	s1 =	sld [smem:$0x3FAB]  }
0x28: {  	s2 =	sld [smem:$0x3FAC]  }
0x29: {  	s4 =	sld [smem:$0x3FAE]  }
0x2a: {  	p0 =	seq.s32 s5, $0x0;
	s5 =	sld [smem:$0x3FAF]  }
0x2b: {  	s6 =	sld [smem:$0x3FB0]  }
0x2c: {  	s7 =	sld [smem:$0x3FB1]  }
0x2d: {  	s3 =	simm.s32 $0x108;
	s8 =	sld [smem:$0x3FB2]  }
0x2e: {  	s3 =	simm.s32 @!p0 $0x1082;
	s9 =	sld [smem:$0x3FB3]  }
0x2f: {  	lr =	sadd.s32 s0, s3;
	s0 =	sld [smem:$0x3FAA]  }
0x30: {  	s3 =	sld [smem:$0x3FAD]  }
0x31: {  	[smem:$0x3FB6] =	sst s10  }
0x32: {  	s10 =	sld [smem:$0x3FB4];
	_ =	sdelay $0x3  }
0x33: {  	p0 =	seq.s32 s10, $0x1;
	s10 =	sld [smem:$0x3FB6];
	_ =	sdelay $0x3  }
0x34: {  	[smem:$0x3FB6] =	sst s10  }
0x35: {  	s10 =	sld [smem:$0x3FB5];
	_ =	sdelay $0x3  }
0x36: {  	p1 =	seq.s32 s10, $0x1;
	s10 =	sld [smem:$0x3FB6];
	_ =	sdelay $0x3  }
0x37: {  	[smem:$0x3FB6] =	sst s10  }
0x38: {  	s10 =	sld [smem:$0x3FB7]  }
0x39: {  	_ = 	snop;
	(pc) =	sbr.ind lr, $3  }
0x3a: {  	_ = 	snop  }
0x3b: {  	_ = 	snop  }
0x3c: {  	p2 =	seq.s32 s10, $0x1;
	s10 =	sld [smem:$0x3FB6]  }
0x3d: {  	_ =	shalt  }
0x3e: {  	_ =	shalt  }
0x3f: {  	_ =	shalt  }
0x40: {  	_ =	shalt  }
0x41: {  	_ =	shalt  }
0x42: {  	_ =	shalt  }
0x43: {  	_ =	shalt  }
0x44: {  	_ =	shalt  }
0x45: {  	_ =	shalt  }
0x46: {  	_ =	shalt  }
0x47: {  	_ =	shalt  }
0x48: {  	_ =	shalt  }
0x49: {  	_ =	shalt  }
0x4a: {  	_ =	shalt  }
0x4b: {  	_ =	shalt  }
0x4c: {  	_ =	shalt  }
0x4d: {  	_ =	shalt  }
0x4e: {  	_ =	shalt  }
0x4f: {  	_ =	shalt  }
0x50: {  	_ =	shalt  }
0x51: {  	_ =	shalt  }
0x52: {  	_ =	shalt  }
0x53: {  	_ =	shalt  }
0x54: {  	_ =	shalt  }
0x55: {  	_ =	shalt  }
0x56: {  	_ =	shalt  }
0x57: {  	_ =	shalt  }
0x58: {  	_ =	shalt  }
0x59: {  	_ =	shalt  }
0x5a: {  	_ =	shalt  }
0x5b: {  	_ =	shalt  }
0x5c: {  	_ =	shalt  }
0x5d: {  	_ =	shalt  }
0x5e: {  	_ =	shalt  }
0x5f: {  	_ =	shalt  }
0x60: {  	_ =	shalt  }
0x61: {  	_ =	shalt  }
0x62: {  	_ =	shalt  }
0x63: {  	_ =	shalt  }
0x64: {  	_ =	shalt  }
0x65: {  	_ =	shalt  }
0x66: {  	_ =	shalt  }
0x67: {  	_ =	shalt  }
0x68: {  	_ =	shalt  }
0x69: {  	_ =	shalt  }
0x6a: {  	_ =	shalt  }
0x6b: {  	_ =	shalt  }
0x6c: {  	_ =	shalt  }
0x6d: {  	_ =	shalt  }
0x6e: {  	_ =	shalt  }
0x6f: {  	_ =	shalt  }
0x70: {  	_ =	shalt  }
0x71: {  	_ =	shalt  }
0x72: {  	_ =	shalt  }
0x73: {  	_ =	shalt  }
0x74: {  	_ =	shalt  }
0x75: {  	_ =	shalt  }
0x76: {  	_ =	shalt  }
0x77: {  	_ =	shalt  }
0x78: {  	_ =	shalt  }
0x79: {  	_ =	shalt  }
0x7a: {  	_ =	shalt  }
0x7b: {  	_ =	shalt  }
0x7c: {  	_ =	shalt  }
0x7d: {  	_ =	shalt  }
0x7e: {  	_ =	shalt  }
0x7f: {  	_ =	shalt  }
0x80: {  	_ =	shalt  }
0x81: {  	_ =	shalt  }
0x82: {  	_ =	shalt  }
0x83: {  	_ =	shalt  }
0x84: {  	_ =	shalt  }
0x85: {  	_ =	shalt  }
0x86: {  	_ =	shalt  }
0x87: {  	_ =	shalt  }
.Lfunc_end0:
.L_simem_size_0:
called_computation.1_lowered:
.L_overlay_start_0:
0x88: {  	s2 =	sld [smem:$0x3FD9]  }
0x89: {  	s3 =	sld [smem:$0x3FFE];
	_ =	sdelay $0x1  }
0x8a: {  	s1 =	srdreg.scid  }
0x8b: {  	s0 =	sand.u32 $0x1, s1  }
0x8c: {  	s17 =	sshll.u32 s0, $0xA;
	s2 =	sadd.s32 s3, s2  }
0x8d: {  	s2 =	sadd.s32 s2, s17  }
0x8e: {  	[smem:$0x3FC2] =	sst s2  }
0x8f: {  	_ = 	snop  }
0x90: {  	s2 =	sld [smem:$0x3FC8];
	(tm) =	ssettm $0x1  }
0x91: {  	s18 =	sld [smem:$0x3FFB];
	_ =	sdelay $0x3  }
0x92: {  	_ =	strace s18  }
0x93: {  	s3 =	sld [smem:$0x3FFC];
	_ =	sdelay $0x3  }
0x94: {  	_ =	strace s3  }
0x95: {  	s3 =	sld [smem:$0x3FFD];
	_ =	sdelay $0x3  }
0x96: {  	_ =	strace s3  }
0x97: {  	_ =	strace $0x8FFFFFFF  }
0x98: {  	s19 =	sld [smem:$0x3FDB];
	_ =	sdelay $0x1  }
0x99: {  	s4 =	simm.s32 $_scs_section_size  }
0x9a: {  	s5 =	simm.s32 $_size__tile_overlayer_lowered;
	s6 =	simm.s32 $_tile_overlayer_lowered  }
0x9b: {  	s22 =	simm.s32 $0x1BFF;
	s21 =	sshll.u32 s6, $0x1;
	s3 =	sadd.s32 s4, s19  }
0x9c: {  	s7 =	simm.s32 $0x0;
	s20 =	sshll.u32 s5, $0x1;
	s5 =	sadd.s32 s21, s3  }
0x9d: {  	[timem:s7], [sflag:s22] =	dma.local [hbm:s5], s20  }
0x9e: {  	_ =	swait.ge [sflag:s22], s20  }
0x9f: {  	s4 =	ssub.s32 $0x0, s20;
	[sflag:s22] =	ssyncset.done $0x0  }
0xa0: {  	[sflag:s22] =	ssyncadd.s32 s4;
	_ =	sdelay $0x1  }
0xa1: {  	s23 =	simm.s32 $0x1B8B  }
0xa2: {  	_ =	swait.ge [sflag:s23], $0x1  }
0xa3: {  	[sflag:s23] =	ssyncset.done $0x0  }
0xa4: {  	s25 =	simm.s32 $0x1B8E;
	s24 =	sld [smem:$0x3FFE];
	[sflag:s23] =	ssyncadd.s32 $0xFFFFFFFF  }
0xa5: {  	s26 =	simm.s32 $execute0_lowered;
	[smem:$0x3FD2] =	sst s25  }
0xa6: {  	s5 =	sshll.u32 s26, $0x1;
	_ =	strace $0x80000046;
	[dreg:$0x1] =	wrdreg $0xFFFFFFFF  }
0xa7: {  	s28 =	simm.s32 $_size_execute0_lowered;
	s3 =	sadd.s32 s3, s5;
	[dreg:$0x0] =	wrdreg $0x0  }
0xa8: {  	s5 =	sshll.u32 s28, $0x1;
	[dreg:$0x2] =	wrdreg s3  }
0xa9: {  	[dreg:$0x3] =	wrdreg s5  }
0xaa: {  	[dreg:$0x4] =	wrdreg $0xC0  }
0xab: {  	_ =	task [dreg:s7], $0x5FFFF  }
0xac: {  	[dreg:$0x1] =	wrdreg $0xFFFFFFFF  }
0xad: {  	[dreg:$0x0] =	wrdreg $0x60  }
0xae: {  	[dreg:$0x2] =	wrdreg s2  }
0xaf: {  	[dreg:$0x3] =	wrdreg s24  }
0xb0: {  	[dreg:$0x4] =	wrdreg $0x38000  }
0xb1: {  	[dreg:$0x5] =	wrdreg $0xA  }
0xb2: {  	_ =	task.clear_ibuf [dreg:s7], $0x6FFFF;
	_ =	strace $0x90000046  }
0xb3: {  	s29 =	simm.s32 $0xA;
	_ =	strace $0x80000048  }
0xb4: {  	_ =	swait.ge [sflag:s29], $0x1  }
0xb5: {  	[sflag:s29] =	ssyncadd.s32 $0xFFFFFFFF  }
0xb6: {  	_ =	strace $0x90000048  }
0xb7: {  	_ =	sfence  }
0xb8: {  	s30 =	sld [smem:$0x0];
	_ =	sdelay $0x2  }
0xb9: {  	s31 =	sshll.u32 s1, $0xD;
	s1 =	sshrl.u32 s1, $0x2  }
0xba: {  	s3 =	sand.u32 $0x4000, s31;
	s1 =	sadd.s32 s1, s30  }
0xbb: {  	s0 =	sor.u32 s3, s0;
	s1 =	sshll.u32 s1, $0x11  }
0xbc: {  	s0 =	sor.u32 s1, s0  }
0xbd: {  	s0 =	sadd.s32 $0x8F2B, s0  }
0xbe: {  	[sflag:s0] =	ssyncadd.remote.s32 $0x1  }
0xbf: {  	_ =	sfence.sel $0xFFFF  }
0xc0: {  	[dreg:$0x0] =	wrdreg $0xFFFFFFFF;
	(pc) =	sbr.abs _section_cstart, $3  }
0xc1: {  	[dreg:$0x1] =	wrdreg $0xFFFFFFFF  }
0xc2: {  	_ =	task.clear_ibuf [dreg:s7], $0x2FFFF;
	_ =	strace $0x9FFFFFFF  }
0xc3: {  	(tm) =	ssettm $0x7FFFFFFF  }
tec
execute0_lowered:
.L_overlay_start_1:
0x0: {  	(tag) =	ssettag $0x1  }
0x1: {  	s3 =	rddreg [dreg:$0x0]  }
0x2: {  	s0 =	srdreg.scid;
	s5 =	rddreg [dreg:$0x1]  }
0x3: {  	s7 =	stileid.u32;
	s1 =	rddreg [dreg:$0x2]  }
0x4: {  	s2 =	simm.s32 $0x0;
	s11 =	simm.s32 $0x2;
	s12 =	simm.s32 $0x1388  }
0x5: {  	s14 =	simm.s32 $0x0;
	s4 =	sand.u32 $0x1, s0;
	s30 =	sshll.u32 s7, $0x1  }
0x6: {  	[smem:$0x7FF] =	sst s2;
	p0 =	sne.s32 s7, $0x0;
	s7 =	simm.s32 $0x1400  }
0x7: {  	s0 =	sor.u32 s4, s30;
	s9 =	ssub.s32 $0x2, s4;
	s4 =	sshll.u32 s4, $0x4  }
0x8: {  	s13 =	sshrl.u32 @!p0 s1, $0x3;
	s6 =	smul.u32 $0x1388, s0;
	s0 =	rddreg [dreg:$0x3]  }
.Ltmp0:
0x9: {  	_ =	strace $0x80000047;
	s10 =	sshrl.u32 s9, $0x1;
	(pc) =	sbr.rel .LBB2_1-.Ltmp0, $4  }
0xa: {  	s31 =	ssub.s32 s9, s10;
	s9 =	simm.s32 $0x3;
	s6 =	sshrl.u32 s6, $0x3  }
0xb: {  	s10 =	simm.s32 $0x1;
	s8 =	sadd.s32 s6, s5;
	s3 =	sadd.s32 s3, s6  }
0xc: {  	s5 =	sadd.s32 s4, s5;
	s6 =	smax.u32 s31, $0x1;
	s3 =	sadd.s32 $0x4E20, s3  }
0xd: {  	v0 =	vimm.f32 $0.0e+00;
	s4 =	sadd.s32 $0x200, s8;
	s5 =	sadd.s32 $0x5200, s5;
	s8 =	simm.s32 $0x2800  }
.LBB2_5:
0xe: {  	_ =	swait.ge [sflag:s10], $0x1388  }
0xf: {  	[sflag:s10] =	ssyncset.done $0x0  }
0x10: {  	[sflag:s10] =	ssyncadd.s32 $0xFFFFEC78  }
0x11: {  	_ =	swait.ge [sflag:s11], $0x1388  }
0x12: {  	[sflag:s11] =	ssyncset.done $0x0  }
0x13: {  	[sflag:s11] =	ssyncadd.s32 $0xFFFFEC78  }
0x14: {  	[bflag:$0x0] =	sbarrier.arrive $0xFFFF  }
0x15: {  	[spmem:s1] =	stream.indirect.scatter.add.f32 [tilespmem:s7], [sflag:$0x3], $0x1, s2, s12, $0xb8;
	[tilespmem:$0x3900] =	vst v63  }
0x16: {  	_ =	swait.ge [sflag:s9], $0x1388  }
0x17: {  	s15 =	simm.s32 @!p0 $0x1;
	s16 =	simm.s32 @!p0 $0x20;
	[sflag:s9] =	ssyncset.done $0x0  }
0x18: {  	s17 =	simm.s32 @!p0 $0x10;
	s14 =	sadd.s32 $0x1, s14;
	[sflag:s9] =	ssyncadd.s32 $0xFFFFEC78  }
0x19: {  	s18 =	simm.s32 @!p0 $0x1C03;
	p1 =	sne.s32 s14, s6;
	[bflag:$0x0] =	sbarrier.arrive $0xFFFF  }
0x1a: {  	[hbm:s5@s16], [sflag:s18] =	dma.strided @!p0 [spmem:s13@s17], $0x200, s15, $0x10   }
.Ltmp1:
0x1b: {  	_ = 	snop;
	(pc) =	sbr.rel @!p1 .LBB2_6-.Ltmp1, $4  }
0x1c: {  	s15 =	simm.s32 @!p0 $0x3  }
0x1d: {  	_ =	swait.ge @!p0 [sflag:s15], $0x200  }
0x1e: {  	[sflag:s15] =	ssyncset.done @!p0 $0x0  }
0x1f: {  	[sflag:s15] =	ssyncadd.s32 @!p0 $0xFFFFFE00  }
.LBB2_1:
.Ltmp2:
0x20: {  	(pc) =	sbr.rel @p0 .LBB2_5-.Ltmp2, $4  }
0x21: {  	_ = 	snop  }
0x22: {  	[tilespmem:s2], [sflag:$0x1] =	stream.linear.gather [hbm4b:s3+s2], $0x1388, $0x38;
	[tilespmem:$0x3900] =	vst v63  }
0x23: {  	_ = 	snop  }
0x24: {  	[tilespmem:s7], [sflag:$0x2] =	stream.linear.gather [hbm4b:s4+s2], $0x1388, $0x38;
	[tilespmem:$0x3900] =	vst v63  }
0x25: {  	s15 =	simm.s32 $0x40;
	s16 =	simm.s32 $0x0  }
.LBB2_3:
0x26: {  	p1 =	sne.s32 s15, $0x3FC0;
	[tilespmem:s16+$0x2800] =	vst v0;
	s16 =	smov.u32 s15;
	s15 =	sadd.s32 $0x40, s15  }
.Ltmp3:
0x27: {  	(pc) =	sbr.rel @p1 .LBB2_3-.Ltmp3, $2  }
0x28: {  	_ =	sdelay $0x2  }
0x29: {  	s16 =	sshra.s32 s16, $0x2  }
.Ltmp4:
0x2a: {  	[tilespmem:s16+$0x2800] =	vst v0;
	(pc) =	sbr.rel .LBB2_5-.Ltmp4, $4  }
0x2b: {  	[spmem:s1] =	stream.linear.scatter [tilespmem:s8], [sflag:$0x3], $0x1000, $0x38;
	[tilespmem:$0x3900] =	vst v63  }
0x2c: {  	_ =	swait.ge [sflag:s9], $0x1000  }
0x2d: {  	[sflag:s9] =	ssyncset.done $0x0  }
0x2e: {  	[sflag:s9] =	ssyncadd.s32 $0xFFFFF000  }
.LBB2_6:
0x2f: {  	_ =	sfence.sel $0x180000  }
0x30: {  	[bflag:$0x0] =	sbarrier.arrive $0xFFFF  }
0x31: {  	_ =	strace $0x90000047  }
0x32: {  	s0 =	sadd.s32 @!p0 $0x100000, s0;
	[bflag:$0x2] =	sbarrier.arrive $0xFFFF  }
0x33: {  	[sflag:s0] =	ssyncadd.tile.s32 @!p0 $0x1;
	_ =	shalt  }
.Lfunc_end2:
_tile_overlayer_lowered:
.L_overlay_start_2:
0x34: {  	(tag) =	ssettag $0x2  }
0x35: {  	s0 =	rddreg [dreg:$0x0];
	s2 =	stileid.u32  }
0x36: {  	s1 =	rddreg [dreg:$0x1];
	p0 =	sne.s32 s2, $0x0  }
0x37: {  	s3 =	rddreg [dreg:$0x2];
	[bflag:$0x3] =	sbarrier.arrive $0xFFFF;
	s2 =	simm.s32 @!p0 $0x1C03  }
0x38: {  	[timem:s3], [sflag:s2] =	dma.local @!p0 [hbm:s0], s1  }
0x39: {  	s0 =	simm.s32 @!p0 $0x3  }
0x3a: {  	_ =	swait.ge @!p0 [sflag:s0], s1  }
0x3b: {  	s1 =	ssub.s32 @!p0 $0x0, s1;
	[sflag:s0] =	ssyncset.done @!p0 $0x0  }
0x3c: {  	[sflag:s0] =	ssyncadd.s32 @!p0 s1  }
0x3d: {  	[bflag:$0x3] =	sbarrier.arrive $0xFFFF  }
0x3e: {  	_ =	shalt  }

</sc_bundles>
